<compile_context>
chip_gen: v7x
topology: tpu7x:2x2x1
jax: 0.10.2.dev20260603
libtpu: 0.0.44.dev20260713+nightly
codegen_flags: <defaults>
</compile_context>

<pallas_src>
import functools

import jax
import jax.numpy as jnp
from jax import lax
from jax.experimental import pallas as pl
from jax.experimental.pallas import tpu as pltpu
from jax.experimental.pallas import tpu_sc as plsc

_VOCAB = 100000
_D = 128
_B = 4096
_H = 200
_N = _B * _H

_NC = 2
_NS = 16
_NW = _NC * _NS
_PER_W = _N // _NW
_CH = 128
_NCH = _PER_W // _CH
_G = 2
_NB = 2
_ROWS = _G * _CH
_NG = _NCH // _G

_mesh = plsc.VectorSubcoreMesh(core_axis_name="c", subcore_axis_name="s")


@functools.partial(
    pl.kernel,
    mesh=_mesh,
    out_type=jax.ShapeDtypeStruct((_N, _D), jnp.float32),
    scratch_types=[
        pltpu.VMEM((_NCH, _CH), jnp.int32),
        pltpu.VMEM((_ROWS, _D), jnp.float32),
        pltpu.VMEM((_ROWS, _D), jnp.float32),
        pltpu.SemaphoreType.DMA,
        pltpu.SemaphoreType.DMA,
        pltpu.SemaphoreType.DMA,
        pltpu.SemaphoreType.DMA,
    ],
)
def _gather(x_hbm, table_hbm, out_hbm, idx_all, rows0, rows1, sg0, sg1, so0, so1):
    rows = (rows0, rows1)
    sg = (sg0, sg1)
    so = (so0, so1)
    wid = lax.axis_index("s") * _NC + lax.axis_index("c")
    base = wid * _PER_W
    pltpu.sync_copy(x_hbm.at[pl.ds(wid * _NCH, _NCH)], idx_all)

    def _drain_gathers(b):
        for j in range(_G):
            pltpu.make_async_copy(
                table_hbm.at[idx_all.at[0]],
                rows[b].at[pl.ds(j * _CH, _CH)],
                sg[b]).wait()

    def body(p, carry):
        for b in range(_NB):
            g = p * _NB + b
            off = base + g * _ROWS

            @pl.when(g >= _NB)
            def _():
                pltpu.make_async_copy(
                    rows[b], out_hbm.at[pl.ds(off, _ROWS)], so[b]).wait()

            for j in range(_G):
                pltpu.async_copy(
                    table_hbm.at[idx_all.at[g * _G + j]],
                    rows[b].at[pl.ds(j * _CH, _CH)],
                    sg[b])

            b2 = (b - 1) % _NB
            g2 = g - 1

            @pl.when(g2 >= 0)
            def _():
                _drain_gathers(b2)
                pltpu.async_copy(
                    rows[b2], out_hbm.at[pl.ds(base + g2 * _ROWS, _ROWS)],
                    so[b2])
        return carry

    lax.fori_loop(0, _NG // _NB, body, 0)
    b_last = (_NG - 1) % _NB
    _drain_gathers(b_last)
    pltpu.async_copy(
        rows[b_last], out_hbm.at[pl.ds(base + (_NG - 1) * _ROWS, _ROWS)],
        so[b_last])
    for b in range(_NB):
        pltpu.make_async_copy(
            rows[b], out_hbm.at[pl.ds(base, _ROWS)], so[b]).wait()


def kernel(x, table):
    idx = x.reshape(_N // _CH, _CH).astype(jnp.int32)
    out = _gather(idx, table)
    return out.reshape(_B, _H, _D)

# --- scband reference (transcript-rebuilt; emitter-appended) ---
"""Pipeline reference for scband-embedder-87084756894169 (READ-ONLY COPY).

The authoritative reference and input builder live on the scoring server;
editing this copy changes nothing except your own understanding.
"""

import jax, jax.numpy as jnp
import numpy as np

VOCAB = 100000
D_MODEL = 128
BATCH = 4096
HIST = 200

def setup_inputs(seed: int = 0) -> dict:
    key = jax.random.key(seed)
    k_idx, k_tab = jax.random.split(key)
    x = jax.random.randint(k_idx, (BATCH, HIST), 0, VOCAB, dtype=jnp.int64 if jax.config.jax_enable_x64 else jnp.int32)
    table = jax.random.normal(k_tab, (VOCAB, D_MODEL), dtype=jnp.float32)
    return {"x": x, "table": table}

def reference(x, table):
    # nn.Embedding forward: row gather from the embedding table
    return jnp.take(table, x, axis=0)

if __name__ == "__main__":
    import jax
    _d = setup_inputs()
    print(jax.jit(kernel)(*tuple(_d.values())))

</pallas_src>

<mosaic_0001>
#map = affine_map<(d0, d1) -> (0, 0)>
module attributes {stable_mosaic.version = 14 : i64} {
  func.func @_gather(%arg0: i32, %arg1: i32, %arg2: memref<6400x128xi32, #tpu.memory_space<hbm>>, %arg3: memref<100000x128xf32, #tpu.memory_space<hbm>>, %arg4: memref<819200x128xf32, #tpu.memory_space<hbm>>, %arg5: memref<200x128xi32, #tpu.memory_space<vmem>>, %arg6: memref<256x128xf32, #tpu.memory_space<vmem>>, %arg7: memref<256x128xf32, #tpu.memory_space<vmem>>, %arg8: memref<!tpu.dma_semaphore, #tpu.memory_space<semaphore_mem>>, %arg9: memref<!tpu.dma_semaphore, #tpu.memory_space<semaphore_mem>>, %arg10: memref<!tpu.dma_semaphore, #tpu.memory_space<semaphore_mem>>, %arg11: memref<!tpu.dma_semaphore, #tpu.memory_space<semaphore_mem>>) attributes {dimension_semantics = [#tpu.dimension_semantics<core_parallel>, #tpu.dimension_semantics<subcore_parallel>], iteration_bounds = array<i64: 2, 16>, scalar_prefetch = 0 : i64, scratch_operands = 7 : i64, tpu.core_type = #tpu.core_type<sc_vector_subcore>, window_params = [{transform_indices = #map}, {transform_indices = #map}, {transform_indices = #map}]} {
    %mul3A = arith.constant 2 : i32
    %mul3A_0 = arith.muli %arg1, %mul3A : i32
    %add3A = arith.addi %mul3A_0, %arg0 : i32
    %mul3A_1 = arith.constant 25600 : i32
    %mul3A_2 = arith.muli %add3A, %mul3A_1 : i32
    %mul3A_3 = arith.constant 200 : i32
    %mul3A_4 = arith.muli %add3A, %mul3A_3 : i32
    "tpu.region"() ({
      %run_scoped3A = tpu.sem_alloc : memref<!tpu.dma_semaphore, #tpu.memory_space<semaphore_mem>>
      %dma_start3A_42 = arith.constant 0 : i32
      %dma_start3A_43 = tpu.memref_slice %arg2[%mul3A_4, %dma_start3A_42] : memref<6400x128xi32, #tpu.memory_space<hbm>> -> memref<200x128xi32, #tpu.memory_space<hbm>>
      %dma_start3A_44 = arith.constant 0 : i32
      %dma_start3A_45 = tpu.memref_slice %arg2[%mul3A_4, %dma_start3A_44] : memref<6400x128xi32, #tpu.memory_space<hbm>> -> memref<200x128xi32, #tpu.memory_space<hbm>>
      tpu.enqueue_dma source(%dma_start3A_45 : memref<200x128xi32, #tpu.memory_space<hbm>>) target(%arg5 : memref<200x128xi32, #tpu.memory_space<vmem>>) target_semaphore(%run_scoped3A : memref<!tpu.dma_semaphore, #tpu.memory_space<semaphore_mem>>)
      %dma_wait3A_46 = arith.constant 0 : i32
      %dma_wait3A_47 = tpu.memref_slice %arg2[%mul3A_4, %dma_wait3A_46] : memref<6400x128xi32, #tpu.memory_space<hbm>> -> memref<200x128xi32, #tpu.memory_space<hbm>>
      %dma_wait3A_48 = arith.constant 0 : i32
      %dma_wait3A_49 = tpu.memref_slice %arg2[%mul3A_4, %dma_wait3A_48] : memref<6400x128xi32, #tpu.memory_space<hbm>> -> memref<200x128xi32, #tpu.memory_space<hbm>>
      tpu.wait_dma2 semaphore(%run_scoped3A : memref<!tpu.dma_semaphore, #tpu.memory_space<semaphore_mem>>) src(%dma_wait3A_49 : memref<200x128xi32, #tpu.memory_space<hbm>>) dst(%arg5 : memref<200x128xi32, #tpu.memory_space<vmem>>)
      tpu.yield
    }) : () -> ()
    %scan3A = arith.constant 0 : i32
    %scan3A_5 = arith.constant 0 : i32
    %scan3A_6 = arith.constant 50 : i32
    %scan3A_7 = arith.addi %scan3A_5, %scan3A_6 : i32
    %scan3A_8 = arith.constant 1 : i32
    scf.for %scan3A_42 = %scan3A_5 to %scan3A_7 step %scan3A_8  : i32 {
      %mul3A_43 = arith.constant 2 : i32
      %mul3A_44 = arith.muli %scan3A_42, %mul3A_43 : i32
      %add3A_45 = arith.constant 0 : i32
      %add3A_46 = arith.addi %mul3A_44, %add3A_45 : i32
      %mul3A_47 = arith.constant 256 : i32
      %mul3A_48 = arith.muli %add3A_46, %mul3A_47 : i32
      %add3A_49 = arith.addi %mul3A_2, %mul3A_48 : i32
      %ge3A = arith.constant 2 : i32
      %ge3A_50 = arith.cmpi sge, %add3A_46, %ge3A : i32
      %convert_element_type3A = arith.extui %ge3A_50 : i1 to i32
      %cond3A = arith.constant 0 : i32
      %cond3A_51 = arith.cmpi ne, %convert_element_type3A, %cond3A : i32
      scf.if %cond3A_51 {
        %dma_wait3A_129 = arith.constant 0 : i32
        %dma_wait3A_130 = tpu.memref_slice %arg4[%add3A_49, %dma_wait3A_129] : memref<819200x128xf32, #tpu.memory_space<hbm>> -> memref<256x128xf32, #tpu.memory_space<hbm>>
        %dma_wait3A_131 = arith.constant 0 : i32
        %dma_wait3A_132 = tpu.memref_slice %arg4[%add3A_49, %dma_wait3A_131] : memref<819200x128xf32, #tpu.memory_space<hbm>> -> memref<256x128xf32, #tpu.memory_space<hbm>>
        tpu.wait_dma2 semaphore(%arg10 : memref<!tpu.dma_semaphore, #tpu.memory_space<semaphore_mem>>) src(%arg6 : memref<256x128xf32, #tpu.memory_space<vmem>>) dst(%dma_wait3A_132 : memref<256x128xf32, #tpu.memory_space<hbm>>)
      } else {
      }
      %mul3A_52 = arith.constant 2 : i32
      %mul3A_53 = arith.muli %add3A_46, %mul3A_52 : i32
      %add3A_54 = arith.constant 0 : i32
      %add3A_55 = arith.addi %mul3A_53, %add3A_54 : i32
      %dma_start3A_56 = arith.constant 0 : i32
      %dma_start3A_57 = arith.constant 0 : i32
      %dma_start3A_58 = tpu.memref_slice %arg6[%dma_start3A_56, %dma_start3A_57] : memref<256x128xf32, #tpu.memory_space<vmem>> -> memref<128x128xf32, #tpu.memory_space<vmem>>
      %dma_start3A_59 = arith.constant 0 : i32
      %dma_start3A_60 = tpu.memref_slice %arg5[%add3A_55, %dma_start3A_59] : memref<200x128xi32, #tpu.memory_space<vmem>> -> memref<1x128xi32, #tpu.memory_space<vmem>>
      %dma_start3A_61 = tpu.memref_squeeze %dma_start3A_60 : memref<1x128xi32, #tpu.memory_space<vmem>> -> memref<128xi32, #tpu.memory_space<vmem>>
      %dma_start3A_62 = arith.constant 0 : i32
      %dma_start3A_63 = arith.constant 0 : i32
      %dma_start3A_64 = tpu.memref_slice %arg3[%dma_start3A_62, %dma_start3A_63] : memref<100000x128xf32, #tpu.memory_space<hbm>> -> memref<100000x128xf32, #tpu.memory_space<hbm>>
      tpu.enqueue_indirect_dma source(%dma_start3A_64 : memref<100000x128xf32, #tpu.memory_space<hbm>>) target(%dma_start3A_58 : memref<128x128xf32, #tpu.memory_space<vmem>>) offsets(%dma_start3A_61 : memref<128xi32, #tpu.memory_space<vmem>>) semaphore(%arg8 : memref<!tpu.dma_semaphore, #tpu.memory_space<semaphore_mem>>)
      %mul3A_65 = arith.constant 2 : i32
      %mul3A_66 = arith.muli %add3A_46, %mul3A_65 : i32
      %add3A_67 = arith.constant 1 : i32
      %add3A_68 = arith.addi %mul3A_66, %add3A_67 : i32
      %dma_start3A_69 = arith.constant 128 : i32
      %dma_start3A_70 = arith.constant 0 : i32
      %dma_start3A_71 = tpu.memref_slice %arg6[%dma_start3A_69, %dma_start3A_70] : memref<256x128xf32, #tpu.memory_space<vmem>> -> memref<128x128xf32, #tpu.memory_space<vmem>>
      %dma_start3A_72 = arith.constant 0 : i32
      %dma_start3A_73 = tpu.memref_slice %arg5[%add3A_68, %dma_start3A_72] : memref<200x128xi32, #tpu.memory_space<vmem>> -> memref<1x128xi32, #tpu.memory_space<vmem>>
      %dma_start3A_74 = tpu.memref_squeeze %dma_start3A_73 : memref<1x128xi32, #tpu.memory_space<vmem>> -> memref<128xi32, #tpu.memory_space<vmem>>
      %dma_start3A_75 = arith.constant 0 : i32
      %dma_start3A_76 = arith.constant 0 : i32
      %dma_start3A_77 = tpu.memref_slice %arg3[%dma_start3A_75, %dma_start3A_76] : memref<100000x128xf32, #tpu.memory_space<hbm>> -> memref<100000x128xf32, #tpu.memory_space<hbm>>
      tpu.enqueue_indirect_dma source(%dma_start3A_77 : memref<100000x128xf32, #tpu.memory_space<hbm>>) target(%dma_start3A_71 : memref<128x128xf32, #tpu.memory_space<vmem>>) offsets(%dma_start3A_74 : memref<128xi32, #tpu.memory_space<vmem>>) semaphore(%arg8 : memref<!tpu.dma_semaphore, #tpu.memory_space<semaphore_mem>>)
      %sub3A = arith.constant 1 : i32
      %sub3A_78 = arith.subi %add3A_46, %sub3A : i32
      %ge3A_79 = arith.constant 0 : i32
      %ge3A_80 = arith.cmpi sge, %sub3A_78, %ge3A_79 : i32
      %convert_element_type3A_81 = arith.extui %ge3A_80 : i1 to i32
      %cond3A_82 = arith.constant 0 : i32
      %cond3A_83 = arith.cmpi ne, %convert_element_type3A_81, %cond3A_82 : i32
      scf.if %cond3A_83 {
        %dma_wait3A_129 = arith.constant 0 : i32
        %dma_wait3A_130 = arith.constant 0 : i32
        %dma_wait3A_131 = arith.constant 0 : i32
        %dma_wait3A_132 = tpu.memref_slice %arg7[%dma_wait3A_130, %dma_wait3A_131] : memref<256x128xf32, #tpu.memory_space<vmem>> -> memref<128x128xf32, #tpu.memory_space<vmem>>
        %dma_wait3A_133 = arith.constant 0 : i32
        %dma_wait3A_134 = tpu.memref_slice %arg5[%dma_wait3A_129, %dma_wait3A_133] : memref<200x128xi32, #tpu.memory_space<vmem>> -> memref<1x128xi32, #tpu.memory_space<vmem>>
        %dma_wait3A_135 = tpu.memref_squeeze %dma_wait3A_134 : memref<1x128xi32, #tpu.memory_space<vmem>> -> memref<128xi32, #tpu.memory_space<vmem>>
        %dma_wait3A_136 = arith.constant 0 : i32
        %dma_wait3A_137 = arith.constant 0 : i32
        %dma_wait3A_138 = tpu.memref_slice %arg3[%dma_wait3A_136, %dma_wait3A_137] : memref<100000x128xf32, #tpu.memory_space<hbm>> -> memref<100000x128xf32, #tpu.memory_space<hbm>>
        tpu.wait_indirect_dma semaphore(%arg9 : memref<!tpu.dma_semaphore, #tpu.memory_space<semaphore_mem>>) src(%dma_wait3A_138 : memref<100000x128xf32, #tpu.memory_space<hbm>>) dst(%dma_wait3A_132 : memref<128x128xf32, #tpu.memory_space<vmem>>)
        %dma_wait3A_139 = arith.constant 0 : i32
        %dma_wait3A_140 = arith.constant 128 : i32
        %dma_wait3A_141 = arith.constant 0 : i32
        %dma_wait3A_142 = tpu.memref_slice %arg7[%dma_wait3A_140, %dma_wait3A_141] : memref<256x128xf32, #tpu.memory_space<vmem>> -> memref<128x128xf32, #tpu.memory_space<vmem>>
        %dma_wait3A_143 = arith.constant 0 : i32
        %dma_wait3A_144 = tpu.memref_slice %arg5[%dma_wait3A_139, %dma_wait3A_143] : memref<200x128xi32, #tpu.memory_space<vmem>> -> memref<1x128xi32, #tpu.memory_space<vmem>>
        %dma_wait3A_145 = tpu.memref_squeeze %dma_wait3A_144 : memref<1x128xi32, #tpu.memory_space<vmem>> -> memref<128xi32, #tpu.memory_space<vmem>>
        %dma_wait3A_146 = arith.constant 0 : i32
        %dma_wait3A_147 = arith.constant 0 : i32
        %dma_wait3A_148 = tpu.memref_slice %arg3[%dma_wait3A_146, %dma_wait3A_147] : memref<100000x128xf32, #tpu.memory_space<hbm>> -> memref<100000x128xf32, #tpu.memory_space<hbm>>
        tpu.wait_indirect_dma semaphore(%arg9 : memref<!tpu.dma_semaphore, #tpu.memory_space<semaphore_mem>>) src(%dma_wait3A_148 : memref<100000x128xf32, #tpu.memory_space<hbm>>) dst(%dma_wait3A_142 : memref<128x128xf32, #tpu.memory_space<vmem>>)
        %mul3A_149 = arith.constant 256 : i32
        %mul3A_150 = arith.muli %sub3A_78, %mul3A_149 : i32
        %add3A_151 = arith.addi %mul3A_2, %mul3A_150 : i32
        %dma_start3A_152 = arith.constant 0 : i32
        %dma_start3A_153 = tpu.memref_slice %arg4[%add3A_151, %dma_start3A_152] : memref<819200x128xf32, #tpu.memory_space<hbm>> -> memref<256x128xf32, #tpu.memory_space<hbm>>
        %dma_start3A_154 = arith.constant 0 : i32
        %dma_start3A_155 = tpu.memref_slice %arg4[%add3A_151, %dma_start3A_154] : memref<819200x128xf32, #tpu.memory_space<hbm>> -> memref<256x128xf32, #tpu.memory_space<hbm>>
        tpu.enqueue_dma source(%arg7 : memref<256x128xf32, #tpu.memory_space<vmem>>) target(%dma_start3A_155 : memref<256x128xf32, #tpu.memory_space<hbm>>) target_semaphore(%arg11 : memref<!tpu.dma_semaphore, #tpu.memory_space<semaphore_mem>>)
      } else {
      }
      %mul3A_84 = arith.constant 2 : i32
      %mul3A_85 = arith.muli %scan3A_42, %mul3A_84 : i32
      %add3A_86 = arith.constant 1 : i32
      %add3A_87 = arith.addi %mul3A_85, %add3A_86 : i32
      %mul3A_88 = arith.constant 256 : i32
      %mul3A_89 = arith.muli %add3A_87, %mul3A_88 : i32
      %add3A_90 = arith.addi %mul3A_2, %mul3A_89 : i32
      %ge3A_91 = arith.constant 2 : i32
      %ge3A_92 = arith.cmpi sge, %add3A_87, %ge3A_91 : i32
      %convert_element_type3A_93 = arith.extui %ge3A_92 : i1 to i32
      %cond3A_94 = arith.constant 0 : i32
      %cond3A_95 = arith.cmpi ne, %convert_element_type3A_93, %cond3A_94 : i32
      scf.if %cond3A_95 {
        %dma_wait3A_129 = arith.constant 0 : i32
        %dma_wait3A_130 = tpu.memref_slice %arg4[%add3A_90, %dma_wait3A_129] : memref<819200x128xf32, #tpu.memory_space<hbm>> -> memref<256x128xf32, #tpu.memory_space<hbm>>
        %dma_wait3A_131 = arith.constant 0 : i32
        %dma_wait3A_132 = tpu.memref_slice %arg4[%add3A_90, %dma_wait3A_131] : memref<819200x128xf32, #tpu.memory_space<hbm>> -> memref<256x128xf32, #tpu.memory_space<hbm>>
        tpu.wait_dma2 semaphore(%arg11 : memref<!tpu.dma_semaphore, #tpu.memory_space<semaphore_mem>>) src(%arg7 : memref<256x128xf32, #tpu.memory_space<vmem>>) dst(%dma_wait3A_132 : memref<256x128xf32, #tpu.memory_space<hbm>>)
      } else {
      }
      %mul3A_96 = arith.constant 2 : i32
      %mul3A_97 = arith.muli %add3A_87, %mul3A_96 : i32
      %add3A_98 = arith.constant 0 : i32
      %add3A_99 = arith.addi %mul3A_97, %add3A_98 : i32
      %dma_start3A_100 = arith.constant 0 : i32
      %dma_start3A_101 = arith.constant 0 : i32
      %dma_start3A_102 = tpu.memref_slice %arg7[%dma_start3A_100, %dma_start3A_101] : memref<256x128xf32, #tpu.memory_space<vmem>> -> memref<128x128xf32, #tpu.memory_space<vmem>>
      %dma_start3A_103 = arith.constant 0 : i32
      %dma_start3A_104 = tpu.memref_slice %arg5[%add3A_99, %dma_start3A_103] : memref<200x128xi32, #tpu.memory_space<vmem>> -> memref<1x128xi32, #tpu.memory_space<vmem>>
      %dma_start3A_105 = tpu.memref_squeeze %dma_start3A_104 : memref<1x128xi32, #tpu.memory_space<vmem>> -> memref<128xi32, #tpu.memory_space<vmem>>
      %dma_start3A_106 = arith.constant 0 : i32
      %dma_start3A_107 = arith.constant 0 : i32
      %dma_start3A_108 = tpu.memref_slice %arg3[%dma_start3A_106, %dma_start3A_107] : memref<100000x128xf32, #tpu.memory_space<hbm>> -> memref<100000x128xf32, #tpu.memory_space<hbm>>
      tpu.enqueue_indirect_dma source(%dma_start3A_108 : memref<100000x128xf32, #tpu.memory_space<hbm>>) target(%dma_start3A_102 : memref<128x128xf32, #tpu.memory_space<vmem>>) offsets(%dma_start3A_105 : memref<128xi32, #tpu.memory_space<vmem>>) semaphore(%arg9 : memref<!tpu.dma_semaphore, #tpu.memory_space<semaphore_mem>>)
      %mul3A_109 = arith.constant 2 : i32
      %mul3A_110 = arith.muli %add3A_87, %mul3A_109 : i32
      %add3A_111 = arith.constant 1 : i32
      %add3A_112 = arith.addi %mul3A_110, %add3A_111 : i32
      %dma_start3A_113 = arith.constant 128 : i32
      %dma_start3A_114 = arith.constant 0 : i32
      %dma_start3A_115 = tpu.memref_slice %arg7[%dma_start3A_113, %dma_start3A_114] : memref<256x128xf32, #tpu.memory_space<vmem>> -> memref<128x128xf32, #tpu.memory_space<vmem>>
      %dma_start3A_116 = arith.constant 0 : i32
      %dma_start3A_117 = tpu.memref_slice %arg5[%add3A_112, %dma_start3A_116] : memref<200x128xi32, #tpu.memory_space<vmem>> -> memref<1x128xi32, #tpu.memory_space<vmem>>
      %dma_start3A_118 = tpu.memref_squeeze %dma_start3A_117 : memref<1x128xi32, #tpu.memory_space<vmem>> -> memref<128xi32, #tpu.memory_space<vmem>>
      %dma_start3A_119 = arith.constant 0 : i32
      %dma_start3A_120 = arith.constant 0 : i32
      %dma_start3A_121 = tpu.memref_slice %arg3[%dma_start3A_119, %dma_start3A_120] : memref<100000x128xf32, #tpu.memory_space<hbm>> -> memref<100000x128xf32, #tpu.memory_space<hbm>>
      tpu.enqueue_indirect_dma source(%dma_start3A_121 : memref<100000x128xf32, #tpu.memory_space<hbm>>) target(%dma_start3A_115 : memref<128x128xf32, #tpu.memory_space<vmem>>) offsets(%dma_start3A_118 : memref<128xi32, #tpu.memory_space<vmem>>) semaphore(%arg9 : memref<!tpu.dma_semaphore, #tpu.memory_space<semaphore_mem>>)
      %sub3A_122 = arith.constant 1 : i32
      %sub3A_123 = arith.subi %add3A_87, %sub3A_122 : i32
      %ge3A_124 = arith.constant 0 : i32
      %ge3A_125 = arith.cmpi sge, %sub3A_123, %ge3A_124 : i32
      %convert_element_type3A_126 = arith.extui %ge3A_125 : i1 to i32
      %cond3A_127 = arith.constant 0 : i32
      %cond3A_128 = arith.cmpi ne, %convert_element_type3A_126, %cond3A_127 : i32
      scf.if %cond3A_128 {
        %dma_wait3A_129 = arith.constant 0 : i32
        %dma_wait3A_130 = arith.constant 0 : i32
        %dma_wait3A_131 = arith.constant 0 : i32
        %dma_wait3A_132 = tpu.memref_slice %arg6[%dma_wait3A_130, %dma_wait3A_131] : memref<256x128xf32, #tpu.memory_space<vmem>> -> memref<128x128xf32, #tpu.memory_space<vmem>>
        %dma_wait3A_133 = arith.constant 0 : i32
        %dma_wait3A_134 = tpu.memref_slice %arg5[%dma_wait3A_129, %dma_wait3A_133] : memref<200x128xi32, #tpu.memory_space<vmem>> -> memref<1x128xi32, #tpu.memory_space<vmem>>
        %dma_wait3A_135 = tpu.memref_squeeze %dma_wait3A_134 : memref<1x128xi32, #tpu.memory_space<vmem>> -> memref<128xi32, #tpu.memory_space<vmem>>
        %dma_wait3A_136 = arith.constant 0 : i32
        %dma_wait3A_137 = arith.constant 0 : i32
        %dma_wait3A_138 = tpu.memref_slice %arg3[%dma_wait3A_136, %dma_wait3A_137] : memref<100000x128xf32, #tpu.memory_space<hbm>> -> memref<100000x128xf32, #tpu.memory_space<hbm>>
        tpu.wait_indirect_dma semaphore(%arg8 : memref<!tpu.dma_semaphore, #tpu.memory_space<semaphore_mem>>) src(%dma_wait3A_138 : memref<100000x128xf32, #tpu.memory_space<hbm>>) dst(%dma_wait3A_132 : memref<128x128xf32, #tpu.memory_space<vmem>>)
        %dma_wait3A_139 = arith.constant 0 : i32
        %dma_wait3A_140 = arith.constant 128 : i32
        %dma_wait3A_141 = arith.constant 0 : i32
        %dma_wait3A_142 = tpu.memref_slice %arg6[%dma_wait3A_140, %dma_wait3A_141] : memref<256x128xf32, #tpu.memory_space<vmem>> -> memref<128x128xf32, #tpu.memory_space<vmem>>
        %dma_wait3A_143 = arith.constant 0 : i32
        %dma_wait3A_144 = tpu.memref_slice %arg5[%dma_wait3A_139, %dma_wait3A_143] : memref<200x128xi32, #tpu.memory_space<vmem>> -> memref<1x128xi32, #tpu.memory_space<vmem>>
        %dma_wait3A_145 = tpu.memref_squeeze %dma_wait3A_144 : memref<1x128xi32, #tpu.memory_space<vmem>> -> memref<128xi32, #tpu.memory_space<vmem>>
        %dma_wait3A_146 = arith.constant 0 : i32
        %dma_wait3A_147 = arith.constant 0 : i32
        %dma_wait3A_148 = tpu.memref_slice %arg3[%dma_wait3A_146, %dma_wait3A_147] : memref<100000x128xf32, #tpu.memory_space<hbm>> -> memref<100000x128xf32, #tpu.memory_space<hbm>>
        tpu.wait_indirect_dma semaphore(%arg8 : memref<!tpu.dma_semaphore, #tpu.memory_space<semaphore_mem>>) src(%dma_wait3A_148 : memref<100000x128xf32, #tpu.memory_space<hbm>>) dst(%dma_wait3A_142 : memref<128x128xf32, #tpu.memory_space<vmem>>)
        %mul3A_149 = arith.constant 256 : i32
        %mul3A_150 = arith.muli %sub3A_123, %mul3A_149 : i32
        %add3A_151 = arith.addi %mul3A_2, %mul3A_150 : i32
        %dma_start3A_152 = arith.constant 0 : i32
        %dma_start3A_153 = tpu.memref_slice %arg4[%add3A_151, %dma_start3A_152] : memref<819200x128xf32, #tpu.memory_space<hbm>> -> memref<256x128xf32, #tpu.memory_space<hbm>>
        %dma_start3A_154 = arith.constant 0 : i32
        %dma_start3A_155 = tpu.memref_slice %arg4[%add3A_151, %dma_start3A_154] : memref<819200x128xf32, #tpu.memory_space<hbm>> -> memref<256x128xf32, #tpu.memory_space<hbm>>
        tpu.enqueue_dma source(%arg6 : memref<256x128xf32, #tpu.memory_space<vmem>>) target(%dma_start3A_155 : memref<256x128xf32, #tpu.memory_space<hbm>>) target_semaphore(%arg10 : memref<!tpu.dma_semaphore, #tpu.memory_space<semaphore_mem>>)
      } else {
      }
    }
    %scan3A_9 = arith.constant 50 : i32
    %dma_wait3A = arith.constant 0 : i32
    %dma_wait3A_10 = arith.constant 0 : i32
    %dma_wait3A_11 = arith.constant 0 : i32
    %dma_wait3A_12 = tpu.memref_slice %arg7[%dma_wait3A_10, %dma_wait3A_11] : memref<256x128xf32, #tpu.memory_space<vmem>> -> memref<128x128xf32, #tpu.memory_space<vmem>>
    %dma_wait3A_13 = arith.constant 0 : i32
    %dma_wait3A_14 = tpu.memref_slice %arg5[%dma_wait3A, %dma_wait3A_13] : memref<200x128xi32, #tpu.memory_space<vmem>> -> memref<1x128xi32, #tpu.memory_space<vmem>>
    %dma_wait3A_15 = tpu.memref_squeeze %dma_wait3A_14 : memref<1x128xi32, #tpu.memory_space<vmem>> -> memref<128xi32, #tpu.memory_space<vmem>>
    %dma_wait3A_16 = arith.constant 0 : i32
    %dma_wait3A_17 = arith.constant 0 : i32
    %dma_wait3A_18 = tpu.memref_slice %arg3[%dma_wait3A_16, %dma_wait3A_17] : memref<100000x128xf32, #tpu.memory_space<hbm>> -> memref<100000x128xf32, #tpu.memory_space<hbm>>
    tpu.wait_indirect_dma semaphore(%arg9 : memref<!tpu.dma_semaphore, #tpu.memory_space<semaphore_mem>>) src(%dma_wait3A_18 : memref<100000x128xf32, #tpu.memory_space<hbm>>) dst(%dma_wait3A_12 : memref<128x128xf32, #tpu.memory_space<vmem>>)
    %dma_wait3A_19 = arith.constant 0 : i32
    %dma_wait3A_20 = arith.constant 128 : i32
    %dma_wait3A_21 = arith.constant 0 : i32
    %dma_wait3A_22 = tpu.memref_slice %arg7[%dma_wait3A_20, %dma_wait3A_21] : memref<256x128xf32, #tpu.memory_space<vmem>> -> memref<128x128xf32, #tpu.memory_space<vmem>>
    %dma_wait3A_23 = arith.constant 0 : i32
    %dma_wait3A_24 = tpu.memref_slice %arg5[%dma_wait3A_19, %dma_wait3A_23] : memref<200x128xi32, #tpu.memory_space<vmem>> -> memref<1x128xi32, #tpu.memory_space<vmem>>
    %dma_wait3A_25 = tpu.memref_squeeze %dma_wait3A_24 : memref<1x128xi32, #tpu.memory_space<vmem>> -> memref<128xi32, #tpu.memory_space<vmem>>
    %dma_wait3A_26 = arith.constant 0 : i32
    %dma_wait3A_27 = arith.constant 0 : i32
    %dma_wait3A_28 = tpu.memref_slice %arg3[%dma_wait3A_26, %dma_wait3A_27] : memref<100000x128xf32, #tpu.memory_space<hbm>> -> memref<100000x128xf32, #tpu.memory_space<hbm>>
    tpu.wait_indirect_dma semaphore(%arg9 : memref<!tpu.dma_semaphore, #tpu.memory_space<semaphore_mem>>) src(%dma_wait3A_28 : memref<100000x128xf32, #tpu.memory_space<hbm>>) dst(%dma_wait3A_22 : memref<128x128xf32, #tpu.memory_space<vmem>>)
    %add3A_29 = arith.constant 25344 : i32
    %add3A_30 = arith.addi %mul3A_2, %add3A_29 : i32
    %dma_start3A = arith.constant 0 : i32
    %dma_start3A_31 = tpu.memref_slice %arg4[%add3A_30, %dma_start3A] : memref<819200x128xf32, #tpu.memory_space<hbm>> -> memref<256x128xf32, #tpu.memory_space<hbm>>
    %dma_start3A_32 = arith.constant 0 : i32
    %dma_start3A_33 = tpu.memref_slice %arg4[%add3A_30, %dma_start3A_32] : memref<819200x128xf32, #tpu.memory_space<hbm>> -> memref<256x128xf32, #tpu.memory_space<hbm>>
    tpu.enqueue_dma source(%arg7 : memref<256x128xf32, #tpu.memory_space<vmem>>) target(%dma_start3A_33 : memref<256x128xf32, #tpu.memory_space<hbm>>) target_semaphore(%arg11 : memref<!tpu.dma_semaphore, #tpu.memory_space<semaphore_mem>>)
    %dma_wait3A_34 = arith.constant 0 : i32
    %dma_wait3A_35 = tpu.memref_slice %arg4[%mul3A_2, %dma_wait3A_34] : memref<819200x128xf32, #tpu.memory_space<hbm>> -> memref<256x128xf32, #tpu.memory_space<hbm>>
    %dma_wait3A_36 = arith.constant 0 : i32
    %dma_wait3A_37 = tpu.memref_slice %arg4[%mul3A_2, %dma_wait3A_36] : memref<819200x128xf32, #tpu.memory_space<hbm>> -> memref<256x128xf32, #tpu.memory_space<hbm>>
    tpu.wait_dma2 semaphore(%arg10 : memref<!tpu.dma_semaphore, #tpu.memory_space<semaphore_mem>>) src(%arg6 : memref<256x128xf32, #tpu.memory_space<vmem>>) dst(%dma_wait3A_37 : memref<256x128xf32, #tpu.memory_space<hbm>>)
    %dma_wait3A_38 = arith.constant 0 : i32
    %dma_wait3A_39 = tpu.memref_slice %arg4[%mul3A_2, %dma_wait3A_38] : memref<819200x128xf32, #tpu.memory_space<hbm>> -> memref<256x128xf32, #tpu.memory_space<hbm>>
    %dma_wait3A_40 = arith.constant 0 : i32
    %dma_wait3A_41 = tpu.memref_slice %arg4[%mul3A_2, %dma_wait3A_40] : memref<819200x128xf32, #tpu.memory_space<hbm>> -> memref<256x128xf32, #tpu.memory_space<hbm>>
    tpu.wait_dma2 semaphore(%arg11 : memref<!tpu.dma_semaphore, #tpu.memory_space<semaphore_mem>>) src(%arg7 : memref<256x128xf32, #tpu.memory_space<vmem>>) dst(%dma_wait3A_41 : memref<256x128xf32, #tpu.memory_space<hbm>>)
    return
  }
}

</mosaic_0001>

<sc_bundles>
// kernel: kernel.3.cloned.1.call-start
scs
__scs_entry_jumppad:
0x0: {  	(pc) =	sbr.rel $0x88, $3  }
0x1: {  	(tag) =	ssettag $0x0;
	lr =	simm.s32 $0x1  }
0x2: {  	[smem:$0x3F9F] =	sst lr;
	_ =	strace $0xD0000000  }
0x3: {  	_ = 	snop  }
0x4: {  	_ = 	snop  }
0x5: {  	_ = 	snop  }
0x6: {  	_ = 	snop  }
0x7: {  	_ = 	snop  }
__scs_overlays_trampoline_lowered:
0x8: {  	[smem:$0x3FAE] =	sst s0  }
0x9: {  	[smem:$0x3FAF] =	sst s1  }
0xa: {  	[smem:$0x3FB0] =	sst s2  }
0xb: {  	[smem:$0x3FB1] =	sst s3  }
0xc: {  	[smem:$0x3FB2] =	sst s4  }
0xd: {  	[smem:$0x3FB3] =	sst s5  }
0xe: {  	[smem:$0x3FB4] =	sst s6  }
0xf: {  	[smem:$0x3FB5] =	sst s7  }
0x10: {  	[smem:$0x3FB6] =	sst s8  }
0x11: {  	[smem:$0x3FB7] =	sst s9;
	s0 =	simm.s32 @!p0 $0x0  }
0x12: {  	s1 =	sld [smem:$0x3F9D];
	s0 =	simm.s32 @p0 $0x1  }
0x13: {  	[smem:$0x3FB8] =	sst s0;
	s0 =	simm.s32 @!p1 $0x0  }
0x14: {  	s2 =	sld [smem:$0x3F9C];
	s0 =	simm.s32 @p1 $0x1  }
0x15: {  	[smem:$0x3FB9] =	sst s0;
	s0 =	simm.s32 @!p2 $0x0  }
0x16: {  	s3 =	sld [smem:$0x3FDB];
	s0 =	simm.s32 @p2 $0x1  }
0x17: {  	s4 =	simm.s32 $0x1BF5;
	[smem:$0x3FBB] =	sst s0  }
0x18: {  	s0 =	sld [smem:$0x3F9E];
	_ =	swait.ge [sflag:s4], $0x0  }
0x19: {  	s7 =	sld [smem:$0x3F9F]  }
0x1a: {  	s8 =	sadd.s32 $0xFFFFE003, lr  }
0x1b: {  	s9 =	sadd.s32 $0xFFFFFEF7, lr;
	s5 =	simm.s32 $0xFFFFFFFF;
	p2 =	slt.u32 s8, $0xFFFFF086  }
0x1c: {  	p1 =	slt.u32 s9, $0xF7A;
	s5 =	simm.s32 @!p2 $0x0  }
0x1d: {  	s5 =	simm.s32 @p1 $0x1;
	p0 =	seq.s32 s7, s2  }
0x1e: {  	s7 =	smul.u32 @!p0 $0xF7A, s2;
	p2 =	seq.s32 @!p0 s5, $0x0  }
0x1f: {  	s9 =	smul.u32 $0xF7A, s1;
	s8 =	simm.s32 @!p0 $0x1BF5;
	p2 =	por !p2, p0  }
0x20: {  	[sflag:s8] =	ssyncset.s32 @!p0 $0xFFFFF086;
	s6 =	sadd.s32 @!p0 s3, s7;
	s7 =	simm.s32 @!p0 $0x108  }
0x21: {  	s3 =	sadd.s32 s3, s9;
	s6 =	sadd.s32 @!p0 $0x88, s6;
	s7 =	simm.s32 @p2 $0x1082  }
0x22: {  	[simem:s7], [sflag:s8] =	dma.local @!p0 [hbm:s6], $0xF7A  }
0x23: {  	s9 =	sor.u32 $0xD0000000, s2;
	s6 =	simm.s32 $0x108;
	_ =	swait.ge @!p0 [sflag:s8], $0x0  }
0x24: {  	s3 =	sadd.s32 $0x88, s3;
	s6 =	simm.s32 @!p1 $0x1082;
	[sflag:s4] =	ssyncset.s32 $0xFFFFF086  }
0x25: {  	[simem:s6], [sflag:s4] =	dma.local [hbm:s3], $0xF7A  }
0x26: {  	[smem:$0x3F9F] =	sst s1;
	(tag) =	ssettag s2;
	_ =	strace s9  }
0x27: {  	s1 =	sld [smem:$0x3FAF]  }
0x28: {  	s2 =	sld [smem:$0x3FB0]  }
0x29: {  	s4 =	sld [smem:$0x3FB2]  }
0x2a: {  	p0 =	seq.s32 s5, $0x0;
	s5 =	sld [smem:$0x3FB3]  }
0x2b: {  	s6 =	sld [smem:$0x3FB4]  }
0x2c: {  	s7 =	sld [smem:$0x3FB5]  }
0x2d: {  	s3 =	simm.s32 $0x108;
	s8 =	sld [smem:$0x3FB6]  }
0x2e: {  	s3 =	simm.s32 @!p0 $0x1082;
	s9 =	sld [smem:$0x3FB7]  }
0x2f: {  	lr =	sadd.s32 s0, s3;
	s0 =	sld [smem:$0x3FAE]  }
0x30: {  	s3 =	sld [smem:$0x3FB1]  }
0x31: {  	[smem:$0x3FBA] =	sst s10  }
0x32: {  	s10 =	sld [smem:$0x3FB8];
	_ =	sdelay $0x3  }
0x33: {  	p0 =	seq.s32 s10, $0x1;
	s10 =	sld [smem:$0x3FBA];
	_ =	sdelay $0x3  }
0x34: {  	[smem:$0x3FBA] =	sst s10  }
0x35: {  	s10 =	sld [smem:$0x3FB9];
	_ =	sdelay $0x3  }
0x36: {  	p1 =	seq.s32 s10, $0x1;
	s10 =	sld [smem:$0x3FBA];
	_ =	sdelay $0x3  }
0x37: {  	[smem:$0x3FBA] =	sst s10  }
0x38: {  	s10 =	sld [smem:$0x3FBB]  }
0x39: {  	_ = 	snop;
	(pc) =	sbr.ind lr, $3  }
0x3a: {  	_ = 	snop  }
0x3b: {  	_ = 	snop  }
0x3c: {  	p2 =	seq.s32 s10, $0x1;
	s10 =	sld [smem:$0x3FBA]  }
0x3d: {  	_ =	shalt  }
0x3e: {  	_ =	shalt  }
0x3f: {  	_ =	shalt  }
0x40: {  	_ =	shalt  }
0x41: {  	_ =	shalt  }
0x42: {  	_ =	shalt  }
0x43: {  	_ =	shalt  }
0x44: {  	_ =	shalt  }
0x45: {  	_ =	shalt  }
0x46: {  	_ =	shalt  }
0x47: {  	_ =	shalt  }
0x48: {  	_ =	shalt  }
0x49: {  	_ =	shalt  }
0x4a: {  	_ =	shalt  }
0x4b: {  	_ =	shalt  }
0x4c: {  	_ =	shalt  }
0x4d: {  	_ =	shalt  }
0x4e: {  	_ =	shalt  }
0x4f: {  	_ =	shalt  }
0x50: {  	_ =	shalt  }
0x51: {  	_ =	shalt  }
0x52: {  	_ =	shalt  }
0x53: {  	_ =	shalt  }
0x54: {  	_ =	shalt  }
0x55: {  	_ =	shalt  }
0x56: {  	_ =	shalt  }
0x57: {  	_ =	shalt  }
0x58: {  	_ =	shalt  }
0x59: {  	_ =	shalt  }
0x5a: {  	_ =	shalt  }
0x5b: {  	_ =	shalt  }
0x5c: {  	_ =	shalt  }
0x5d: {  	_ =	shalt  }
0x5e: {  	_ =	shalt  }
0x5f: {  	_ =	shalt  }
0x60: {  	_ =	shalt  }
0x61: {  	_ =	shalt  }
0x62: {  	_ =	shalt  }
0x63: {  	_ =	shalt  }
0x64: {  	_ =	shalt  }
0x65: {  	_ =	shalt  }
0x66: {  	_ =	shalt  }
0x67: {  	_ =	shalt  }
0x68: {  	_ =	shalt  }
0x69: {  	_ =	shalt  }
0x6a: {  	_ =	shalt  }
0x6b: {  	_ =	shalt  }
0x6c: {  	_ =	shalt  }
0x6d: {  	_ =	shalt  }
0x6e: {  	_ =	shalt  }
0x6f: {  	_ =	shalt  }
0x70: {  	_ =	shalt  }
0x71: {  	_ =	shalt  }
0x72: {  	_ =	shalt  }
0x73: {  	_ =	shalt  }
0x74: {  	_ =	shalt  }
0x75: {  	_ =	shalt  }
0x76: {  	_ =	shalt  }
0x77: {  	_ =	shalt  }
0x78: {  	_ =	shalt  }
0x79: {  	_ =	shalt  }
0x7a: {  	_ =	shalt  }
0x7b: {  	_ =	shalt  }
0x7c: {  	_ =	shalt  }
0x7d: {  	_ =	shalt  }
0x7e: {  	_ =	shalt  }
0x7f: {  	_ =	shalt  }
0x80: {  	_ =	shalt  }
0x81: {  	_ =	shalt  }
0x82: {  	_ =	shalt  }
0x83: {  	_ =	shalt  }
0x84: {  	_ =	shalt  }
0x85: {  	_ =	shalt  }
0x86: {  	_ =	shalt  }
0x87: {  	_ =	shalt  }
.Lfunc_end0:
.L_simem_size_0:
called_computation_lowered:
.L_overlay_start_0:
0x88: {  	s2 =	sld [smem:$0x3FD9]  }
0x89: {  	s3 =	sld [smem:$0x3FFE];
	_ =	sdelay $0x1  }
0x8a: {  	s1 =	srdreg.scid  }
0x8b: {  	s0 =	sand.u32 $0x1, s1  }
0x8c: {  	s17 =	sshll.u32 s0, $0xA;
	s2 =	sadd.s32 s3, s2  }
0x8d: {  	s2 =	sadd.s32 s2, s17  }
0x8e: {  	[smem:$0x3FC6] =	sst s2  }
0x8f: {  	_ = 	snop  }
0x90: {  	s2 =	sld [smem:$0x3FC8]  }
0x91: {  	s18 =	sld [smem:$0x3FD0];
	(tm) =	ssettm $0x1  }
0x92: {  	s4 =	sld [smem:$0x3FFB];
	_ =	sdelay $0x3  }
0x93: {  	_ =	strace s4  }
0x94: {  	s4 =	sld [smem:$0x3FFC];
	_ =	sdelay $0x3  }
0x95: {  	_ =	strace s4  }
0x96: {  	s4 =	sld [smem:$0x3FFD];
	_ =	sdelay $0x3  }
0x97: {  	_ =	strace s4  }
0x98: {  	_ =	strace $0x8FFFFFFF  }
0x99: {  	s19 =	sld [smem:$0x3FDB];
	_ =	sdelay $0x1  }
0x9a: {  	s5 =	simm.s32 $_scs_section_size  }
0x9b: {  	s6 =	simm.s32 $_size__tile_overlayer_lowered;
	s7 =	simm.s32 $_tile_overlayer_lowered  }
0x9c: {  	s22 =	simm.s32 $0x1BFF;
	s21 =	sshll.u32 s7, $0x1;
	s4 =	sadd.s32 s5, s19  }
0x9d: {  	s8 =	simm.s32 $0x0;
	s20 =	sshll.u32 s6, $0x1;
	s6 =	sadd.s32 s21, s4  }
0x9e: {  	[timem:s8], [sflag:s22] =	dma.local [hbm:s6], s20  }
0x9f: {  	_ =	swait.ge [sflag:s22], s20  }
0xa0: {  	s5 =	ssub.s32 $0x0, s20;
	[sflag:s22] =	ssyncset.done $0x0  }
0xa1: {  	[sflag:s22] =	ssyncadd.s32 s5;
	_ =	sdelay $0x1  }
0xa2: {  	s23 =	simm.s32 $0x1B8B  }
0xa3: {  	_ =	swait.ge [sflag:s23], $0x1  }
0xa4: {  	[sflag:s23] =	ssyncset.done $0x0  }
0xa5: {  	s25 =	simm.s32 $0x1B8E;
	s24 =	sld [smem:$0x3FFE];
	[sflag:s23] =	ssyncadd.s32 $0xFFFFFFFF  }
0xa6: {  	s26 =	simm.s32 $execute0_lowered;
	[smem:$0x3FD2] =	sst s25  }
0xa7: {  	s6 =	sshll.u32 s26, $0x1;
	_ =	strace $0x80000046;
	[dreg:$0x1] =	wrdreg $0xFFFFFFFF  }
0xa8: {  	s28 =	simm.s32 $_size_execute0_lowered;
	s4 =	sadd.s32 s4, s6;
	[dreg:$0x0] =	wrdreg $0x0  }
0xa9: {  	s6 =	sshll.u32 s28, $0x1;
	[dreg:$0x2] =	wrdreg s4  }
0xaa: {  	[dreg:$0x3] =	wrdreg s6  }
0xab: {  	[dreg:$0x4] =	wrdreg $0xC0  }
0xac: {  	_ =	task [dreg:s8], $0x5FFFF  }
0xad: {  	[dreg:$0x1] =	wrdreg $0xFFFFFFFF  }
0xae: {  	[dreg:$0x0] =	wrdreg $0x60  }
0xaf: {  	[dreg:$0x2] =	wrdreg s24  }
0xb0: {  	[dreg:$0x3] =	wrdreg s2  }
0xb1: {  	[dreg:$0x4] =	wrdreg s18  }
0xb2: {  	[dreg:$0x5] =	wrdreg $0x9  }
0xb3: {  	_ =	task.clear_ibuf [dreg:s8], $0x6FFFF;
	_ =	strace $0x90000046  }
0xb4: {  	s29 =	simm.s32 $0x9;
	_ =	strace $0x80000048  }
0xb5: {  	_ =	swait.ge [sflag:s29], $0x1  }
0xb6: {  	[sflag:s29] =	ssyncadd.s32 $0xFFFFFFFF  }
0xb7: {  	_ =	strace $0x90000048  }
0xb8: {  	_ =	sfence  }
0xb9: {  	s30 =	sld [smem:$0x0];
	_ =	sdelay $0x2  }
0xba: {  	s31 =	sshll.u32 s1, $0xD;
	s1 =	sshrl.u32 s1, $0x2  }
0xbb: {  	s3 =	sand.u32 $0x4000, s31;
	s1 =	sadd.s32 s1, s30  }
0xbc: {  	s0 =	sor.u32 s3, s0;
	s1 =	sshll.u32 s1, $0x11  }
0xbd: {  	s0 =	sor.u32 s1, s0  }
0xbe: {  	s0 =	sadd.s32 $0x8F2B, s0  }
0xbf: {  	[sflag:s0] =	ssyncadd.remote.s32 $0x1  }
0xc0: {  	_ =	sfence.sel $0xFFFF  }
0xc1: {  	[dreg:$0x0] =	wrdreg $0xFFFFFFFF;
	(pc) =	sbr.abs _section_cstart, $3  }
0xc2: {  	[dreg:$0x1] =	wrdreg $0xFFFFFFFF  }
0xc3: {  	_ =	task.clear_ibuf [dreg:s8], $0x2FFFF;
	_ =	strace $0x9FFFFFFF  }
0xc4: {  	(tm) =	ssettm $0x7FFFFFFF  }
0xc5: {  	_ =	shalt  }
tec
execute0_lowered:
.L_overlay_start_1:
0x0: {  	(tag) =	ssettag $0x1  }
0x1: {  	s4 =	rddreg [dreg:$0x0]  }
0x2: {  	s1 =	srdreg.scid;
	s2 =	rddreg [dreg:$0x1]  }
0x3: {  	s0 =	stileid.u32;
	s9 =	rddreg [dreg:$0x2];
	s3 =	simm.s32 $0x0  }
0x4: {  	s13 =	simm.s32 $0xA400;
	s14 =	simm.s32 $0x100;
	s15 =	simm.s32 $0xE400  }
0x5: {  	s16 =	simm.s32 $0x180;
	s17 =	simm.s32 $0x12400;
	s18 =	simm.s32 $0x1  }
0x6: {  	s19 =	simm.s32 $0x3;
	s20 =	simm.s32 $0x2;
	s21 =	simm.s32 $0x4  }
0x7: {  	s22 =	simm.s32 $0x0;
	s5 =	sand.u32 $0x1, s1;
	s1 =	rddreg [dreg:$0x3]  }
0x8: {  	s26 =	sshll.u32 s0, $0x1;
	[smem:$0x7FF] =	sst s3;
	s10 =	smul.u32 $0x640000, s0  }
0x9: {  	s6 =	sor.u32 s5, s26;
	s8 =	ssub.s32 $0x2, s5;
	s12 =	smul.u32 $0x320000, s5  }
0xa: {  	_ =	strace $0x80000047;
	s7 =	smul.u32 $0xC80, s6;
	s11 =	sshrl.u32 s8, $0x1  }
0xb: {  	s6 =	smul.u32 $0x320000, s6;
	s28 =	ssub.s32 s8, s11;
	s30 =	sadd.s32 s12, s10  }
0xc: {  	s11 =	simm.s32 $0x80;
	s12 =	simm.s32 $0x6400;
	s4 =	sadd.s32 s7, s4  }
0xd: {  	s29 =	sshrl.u32 s6, $0x3;
	s10 =	sor.u32 $0x10000, s30;
	s8 =	sor.u32 $0x8000, s30  }
0xe: {  	s7 =	smax.u32 s28, $0x1;
	s4 =	sadd.s32 $0x400, s4;
	s5 =	sadd.s32 s9, s29  }
0xf: {  	s10 =	sshrl.u32 s10, $0x3;
	s31 =	sshrl.u32 s8, $0x3;
	s6 =	sadd.s32 $0x63000, s5  }
0x10: {  	s8 =	sadd.s32 s10, s9;
	s9 =	sadd.s32 s31, s9;
	s10 =	simm.s32 $0x5  }
.LBB2_1:
0x11: {  	[tilespmem:s3], [sflag:$0x5] =	stream.linear.gather [hbm4b:s4+s3], $0x6400, $0x38;
	[tilespmem:$0x16400] =	vst v63  }
0x12: {  	_ =	swait.ge [sflag:s10], $0x6400  }
0x13: {  	[sflag:s10] =	ssyncset.done $0x0  }
0x14: {  	[sflag:s10] =	ssyncadd.s32 $0xFFFF9C00  }
0x15: {  	[tilespmem:s12], [sflag:$0x1] =	stream.indirect.gather [hbm4b:s2+s11], $0x80, s3, s11, $0xb8;
	[tilespmem:$0x16400] =	vst v63  }
0x16: {  	_ = 	snop  }
0x17: {  	[tilespmem:s13], [sflag:$0x1] =	stream.indirect.gather [hbm4b:s2+s11], $0x80, s11, s11, $0xb8;
	[tilespmem:$0x16400] =	vst v63  }
0x18: {  	_ = 	snop  }
0x19: {  	[tilespmem:s15], [sflag:$0x2] =	stream.indirect.gather [hbm4b:s2+s11], $0x80, s14, s11, $0xb8;
	[tilespmem:$0x16400] =	vst v63  }
0x1a: {  	_ = 	snop  }
0x1b: {  	[tilespmem:s17], [sflag:$0x2] =	stream.indirect.gather [hbm4b:s2+s11], $0x80, s16, s11, $0xb8;
	[tilespmem:$0x16400] =	vst v63  }
0x1c: {  	_ =	swait.ge [sflag:s18], $0x4000  }
0x1d: {  	[sflag:s18] =	ssyncset.done $0x0  }
0x1e: {  	[sflag:s18] =	ssyncadd.s32 $0xFFFFC000  }
0x1f: {  	_ =	swait.ge [sflag:s18], $0x4000  }
0x20: {  	[sflag:s18] =	ssyncset.done $0x0  }
0x21: {  	[sflag:s18] =	ssyncadd.s32 $0xFFFFC000  }
0x22: {  	[hbm4b:s5+s3] =	stream.linear.scatter [tilespmem:s12], [sflag:$0x3], $0x8000, $0x38;
	[tilespmem:$0x16400] =	vst v63  }
0x23: {  	_ =	swait.ge [sflag:s19], $0x8000  }
0x24: {  	[sflag:s19] =	ssyncset.done $0x0  }
0x25: {  	s23 =	simm.s32 $0x200;
	[sflag:s19] =	ssyncadd.s32 $0xFFFF8000  }
0x26: {  	[tilespmem:s12], [sflag:$0x1] =	stream.indirect.gather [hbm4b:s2+s11], $0x80, s23, s11, $0xb8;
	[tilespmem:$0x16400] =	vst v63  }
0x27: {  	s29 =	simm.s32 $0x280  }
0x28: {  	[tilespmem:s13], [sflag:$0x1] =	stream.indirect.gather [hbm4b:s2+s11], $0x80, s29, s11, $0xb8;
	[tilespmem:$0x16400] =	vst v63  }
0x29: {  	_ =	swait.ge [sflag:s20], $0x4000  }
0x2a: {  	[sflag:s20] =	ssyncset.done $0x0  }
0x2b: {  	[sflag:s20] =	ssyncadd.s32 $0xFFFFC000  }
0x2c: {  	_ =	swait.ge [sflag:s20], $0x4000  }
0x2d: {  	[sflag:s20] =	ssyncset.done $0x0  }
0x2e: {  	[sflag:s20] =	ssyncadd.s32 $0xFFFFC000  }
0x2f: {  	[hbm4b:s9+s3] =	stream.linear.scatter [tilespmem:s15], [sflag:$0x4], $0x8000, $0x38;
	[tilespmem:$0x16400] =	vst v63  }
0x30: {  	_ =	swait.ge [sflag:s21], $0x8000  }
0x31: {  	[sflag:s21] =	ssyncset.done $0x0  }
0x32: {  	s30 =	simm.s32 $0x300;
	[sflag:s21] =	ssyncadd.s32 $0xFFFF8000  }
0x33: {  	[tilespmem:s15], [sflag:$0x2] =	stream.indirect.gather [hbm4b:s2+s11], $0x80, s30, s11, $0xb8;
	[tilespmem:$0x16400] =	vst v63  }
0x34: {  	s31 =	simm.s32 $0x380  }
0x35: {  	[tilespmem:s17], [sflag:$0x2] =	stream.indirect.gather [hbm4b:s2+s11], $0x80, s31, s11, $0xb8;
	[tilespmem:$0x16400] =	vst v63  }
0x36: {  	_ =	swait.ge [sflag:s18], $0x4000  }
0x37: {  	[sflag:s18] =	ssyncset.done $0x0  }
0x38: {  	[sflag:s18] =	ssyncadd.s32 $0xFFFFC000  }
0x39: {  	_ =	swait.ge [sflag:s18], $0x4000  }
0x3a: {  	s24 =	sadd.s32 $0x2000, s8;
	s25 =	sadd.s32 $0x2000, s9;
	[sflag:s18] =	ssyncset.done $0x0  }
0x3b: {  	s26 =	smov.u32 s8;
	s23 =	simm.s32 $0x800;
	[sflag:s18] =	ssyncadd.s32 $0xFFFFC000  }
.LBB2_2:
0x3c: {  	[hbm4b:s26+s3] =	stream.linear.scatter [tilespmem:s12], [sflag:$0x3], $0x8000, $0x38;
	[tilespmem:$0x16400] =	vst v63  }
0x3d: {  	s28 =	smov.u32 s23;
	s26 =	smov.u32 s24  }
0x3e: {  	p0 =	sne.s32 s23, $0x18000;
	s23 =	sadd.s32 $0x800, s23;
	_ =	swait.ge [sflag:s19], $0x8000  }
0x3f: {  	s28 =	sshra.s32 s28, $0x2;
	[sflag:s19] =	ssyncset.done $0x0  }
0x40: {  	s29 =	sadd.s32 $0x200, s28;
	[sflag:s19] =	ssyncadd.s32 $0xFFFF8000  }
0x41: {  	[tilespmem:s12], [sflag:$0x1] =	stream.indirect.gather [hbm4b:s2+s11], $0x80, s29, s11, $0xb8;
	[tilespmem:$0x16400] =	vst v63  }
0x42: {  	s29 =	sadd.s32 $0x280, s28  }
0x43: {  	[tilespmem:s13], [sflag:$0x1] =	stream.indirect.gather [hbm4b:s2+s11], $0x80, s29, s11, $0xb8;
	[tilespmem:$0x16400] =	vst v63  }
0x44: {  	_ =	swait.ge [sflag:s20], $0x4000  }
0x45: {  	[sflag:s20] =	ssyncset.done $0x0  }
0x46: {  	[sflag:s20] =	ssyncadd.s32 $0xFFFFC000  }
0x47: {  	_ =	swait.ge [sflag:s20], $0x4000  }
0x48: {  	[sflag:s20] =	ssyncset.done $0x0  }
0x49: {  	[sflag:s20] =	ssyncadd.s32 $0xFFFFC000  }
0x4a: {  	[hbm4b:s25+s3] =	stream.linear.scatter [tilespmem:s15], [sflag:$0x4], $0x8000, $0x38;
	[tilespmem:$0x16400] =	vst v63  }
0x4b: {  	_ =	swait.ge [sflag:s21], $0x8000  }
0x4c: {  	[sflag:s21] =	ssyncset.done $0x0  }
0x4d: {  	s29 =	sadd.s32 $0x300, s28;
	[sflag:s21] =	ssyncadd.s32 $0xFFFF8000  }
0x4e: {  	[tilespmem:s15], [sflag:$0x2] =	stream.indirect.gather [hbm4b:s2+s11], $0x80, s29, s11, $0xb8;
	[tilespmem:$0x16400] =	vst v63  }
0x4f: {  	s28 =	sadd.s32 $0x380, s28  }
0x50: {  	[tilespmem:s17], [sflag:$0x2] =	stream.indirect.gather [hbm4b:s2+s11], $0x80, s28, s11, $0xb8;
	[tilespmem:$0x16400] =	vst v63  }
0x51: {  	_ =	swait.ge [sflag:s18], $0x4000  }
.Ltmp0:
0x52: {  	[sflag:s18] =	ssyncset.done $0x0;
	(pc) =	sbr.rel @p0 .LBB2_2-.Ltmp0, $4  }
0x53: {  	[sflag:s18] =	ssyncadd.s32 $0xFFFFC000  }
0x54: {  	_ =	swait.ge [sflag:s18], $0x4000  }
0x55: {  	[sflag:s18] =	ssyncset.done $0x0  }
0x56: {  	s24 =	sadd.s32 $0x2000, s24;
	s25 =	sadd.s32 $0x2000, s25;
	[sflag:s18] =	ssyncadd.s32 $0xFFFFC000  }
0x57: {  	[hbm4b:s26+s3] =	stream.linear.scatter [tilespmem:s12], [sflag:$0x3], $0x8000, $0x38;
	[tilespmem:$0x16400] =	vst v63  }
0x58: {  	_ =	swait.ge [sflag:s20], $0x4000  }
0x59: {  	[sflag:s20] =	ssyncset.done $0x0  }
0x5a: {  	[sflag:s20] =	ssyncadd.s32 $0xFFFFC000  }
0x5b: {  	_ =	swait.ge [sflag:s20], $0x4000  }
0x5c: {  	[sflag:s20] =	ssyncset.done $0x0  }
0x5d: {  	s22 =	sadd.s32 $0x1, s22;
	[sflag:s20] =	ssyncadd.s32 $0xFFFFC000  }
0x5e: {  	[hbm4b:s6+s3] =	stream.linear.scatter [tilespmem:s15], [sflag:$0x4], $0x8000, $0x38;
	[tilespmem:$0x16400] =	vst v63  }
0x5f: {  	p0 =	sne.s32 s22, s7;
	_ =	swait.ge [sflag:s19], $0x8000  }
.Ltmp1:
0x60: {  	[sflag:s19] =	ssyncset.done $0x0;
	(pc) =	sbr.rel @p0 .LBB2_1-.Ltmp1, $4  }
0x61: {  	[sflag:s19] =	ssyncadd.s32 $0xFFFF8000  }
0x62: {  	_ =	swait.ge [sflag:s21], $0x8000  }
0x63: {  	[sflag:s21] =	ssyncset.done $0x0  }
0x64: {  	[sflag:s21] =	ssyncadd.s32 $0xFFFF8000  }
0x65: {  	_ =	sfence.sel $0x180000  }
0x66: {  	[bflag:$0x0] =	sbarrier.arrive $0xFFFF  }
0x67: {  	p0 =	sne.s32 s0, $0x0;
	_ =	strace $0x90000047  }
0x68: {  	s0 =	sadd.s32 @!p0 $0x100000, s1;
	[bflag:$0x2] =	sbarrier.arrive $0xFFFF  }
0x69: {  	[sflag:s0] =	ssyncadd.tile.s32 @!p0 $0x1;
	_ =	shalt  }
.Lfunc_end2:
_tile_overlayer_lowered:
.L_overlay_start_2:
0x6a: {  	(tag) =	ssettag $0x2  }
0x6b: {  	s0 =	rddreg [dreg:$0x0];
	s2 =	stileid.u32  }
0x6c: {  	s1 =	rddreg [dreg:$0x1];
	p0 =	sne.s32 s2, $0x0  }
0x6d: {  	s3 =	rddreg [dreg:$0x2];
	[bflag:$0x3] =	sbarrier.arrive $0xFFFF;
	s2 =	simm.s32 @!p0 $0x1C05  }
0x6e: {  	[timem:s3], [sflag:s2] =	dma.local @!p0 [hbm:s0], s1  }
0x6f: {  	s0 =	simm.s32 @!p0 $0x5  }
0x70: {  	_ =	swait.ge @!p0 [sflag:s0], s1  }
0x71: {  	s1 =	ssub.s32 @!p0 $0x0, s1;
	[sflag:s0] =	ssyncset.done @!p0 $0x0  }
0x72: {  	[sflag:s0] =	ssyncadd.s32 @!p0 s1  }
0x73: {  	[bflag:$0x3] =	sbarrier.arrive $0xFFFF  }
0x74: {  	_ =	shalt  }

</sc_bundles>
